<compile_context>
chip_gen: v7x
topology: tpu7x:2x2x1
jax: 0.10.2.dev20260603
libtpu: 0.0.44.dev20260713+nightly
codegen_flags: <defaults>
</compile_context>

<pallas_src>
import jax
import jax.numpy as jnp
from jax import lax
from jax.experimental import pallas as pl
from jax.experimental.pallas import tpu as pltpu
from jax.experimental.pallas import tpu_sc as plsc

N_NODES = 62
FEAT = 64
NPAD = 64
N_TRIL = N_NODES * (N_NODES + 1) // 2
P_PAD_LEN = 2048
HP = jax.lax.Precision.HIGHEST



def _sc_build_a_body(p_hbm, a_hbm, p_v, row_v):
    wid = lax.axis_index("s") * 2 + lax.axis_index("c")
    pltpu.sync_copy(p_hbm, p_v)
    for r in range(2):
        row = wid * 2 + r
        row_b = jnp.full((16,), row, jnp.int32)
        for j in range(NPAD // 16):
            cvec = lax.iota(jnp.int32, 16) + (j * 16)
            hi = jnp.maximum(cvec, row_b)
            lo = jnp.minimum(cvec, row_b)
            idx = lax.shift_right_logical(hi * (hi + 1), 1) + lo
            valid = (cvec != row_b) & (cvec < N_NODES) & (row_b < N_NODES)
            iv = jnp.where(valid, idx, P_PAD_LEN - 1)
            row_v[pl.ds(j * 16, 16)] = plsc.load_gather(p_v, [iv])
        pltpu.sync_copy(row_v, a_hbm.at[row])


def _make_sc_build_a():
    return pl.kernel(
        _sc_build_a_body,
        out_type=jax.ShapeDtypeStruct((NPAD, NPAD), jnp.float32),
        mesh=plsc.VectorSubcoreMesh(
            core_axis_name="c", subcore_axis_name="s",
            num_cores=2, num_subcores=16),
        scratch_types=[
            pltpu.VMEM((P_PAD_LEN,), jnp.float32),
            pltpu.VMEM((NPAD,), jnp.float32),
        ],
        compiler_params=pltpu.CompilerParams(needs_layout_passes=False),
    )


def _eeg_kernel(xr_ref, a_ref, w0a_ref, w1a_ref, w0b_ref, w1b_ref,
                ba_ref, bb_ref, fcw_ref, fcb_ref, out_ref):
    A = a_ref[:, :]
    deg_c = jnp.sum(A, axis=1, keepdims=True)
    deg_r = jnp.sum(A, axis=0, keepdims=True)
    dis_c = jnp.where(deg_c > 0, 1.0 / jnp.sqrt(jnp.maximum(deg_c, 1e-12)), 0.0)
    dis_r = jnp.where(deg_r > 0, 1.0 / jnp.sqrt(jnp.maximum(deg_r, 1e-12)), 0.0)
    S = -(dis_c * A * dis_r)
    srow = jnp.sum(S, axis=0, keepdims=True)

    w0a = w0a_ref[:, :]
    w1a = w1a_ref[:, :]
    w0b = w0b_ref[:, :]
    w1b = w1b_ref[:, :]
    m0 = jnp.dot(w0a, w0b, precision=HP)
    m1 = jnp.dot(w0a, w1b, precision=HP) + jnp.dot(w1a, w0b, precision=HP)
    m2 = jnp.dot(w1a, w1b, precision=HP)
    alpha = jnp.dot(ba_ref[:, :], w0b, precision=HP) + bb_ref[:, :]
    beta = jnp.dot(ba_ref[:, :], w1b, precision=HP)

    R0 = jnp.concatenate(
        [jnp.transpose(fcw_ref[:, :]),
         jnp.zeros((NPAD - N_NODES, 3), jnp.float32)], axis=0)
    R1 = jnp.dot(S, R0, precision=HP)
    R2 = jnp.dot(S, R1, precision=HP)

    q = (m0.reshape(1, FEAT, 1) * jax.lax.slice(R0, (0, 0), (N_NODES, 3)).reshape(N_NODES, 1, 3)
         + m1.reshape(1, FEAT, 1) * jax.lax.slice(R1, (0, 0), (N_NODES, 3)).reshape(N_NODES, 1, 3)
         + m2.reshape(1, FEAT, 1) * jax.lax.slice(R2, (0, 0), (N_NODES, 3)).reshape(N_NODES, 1, 3))
    Q = q.reshape(N_NODES * FEAT, 3)

    bias = jnp.dot(alpha + beta * srow, R0, precision=HP)
    out_ref[:, :] = (jnp.dot(xr_ref[:, :], Q)
                     + bias + fcb_ref[:, :])


def kernel(x, edge_index, y, batch, edge_weight_param, W0a, W1a, ba,
           W0b, W1b, bb, fcW, fcb):
    bsz = y.shape[0]
    xr = x.reshape(bsz, N_NODES * FEAT)
    p_pad = jnp.zeros((P_PAD_LEN,), jnp.float32).at[:N_TRIL].set(edge_weight_param)
    ba_r = ba.reshape(1, FEAT)
    bb_r = bb.reshape(1, 1)
    fcb_r = fcb.reshape(1, 3)

    a = _make_sc_build_a()(p_pad)

    return pl.pallas_call(
        _eeg_kernel,
        out_shape=jax.ShapeDtypeStruct((bsz, 3), jnp.float32),
    )(xr, a, W0a, W1a, W0b, W1b, ba_r, bb_r, fcW, fcb_r)

# --- scband reference (transcript-rebuilt; emitter-appended) ---
"""Pipeline reference for scband-eegnet-27994596836274 (READ-ONLY COPY).

The authoritative reference and input builder live on the scoring server;
editing this copy changes nothing except your own understanding.
"""

import jax, jax.numpy as jnp
import numpy as np

N_NODES = 62
BATCH = 256
FEAT = 64
HID = 64
CLASSES = 3
TOT = N_NODES * BATCH


def _build_edge_index():
    # fully-connected per graph, row-major (i, j) order so it lines up with
    # edge_weight.reshape(-1).repeat(batch) in the torch model
    ii = jnp.repeat(jnp.arange(N_NODES), N_NODES)
    jj = jnp.tile(jnp.arange(N_NODES), N_NODES)
    offs = (jnp.arange(BATCH) * N_NODES)[:, None]
    src = (ii[None, :] + offs).reshape(-1)
    dst = (jj[None, :] + offs).reshape(-1)
    return jnp.stack([src, dst])


def setup_inputs(seed: int = 0):
    key = jax.random.key(seed)
    ks = jax.random.split(key, 10)
    x = jax.random.normal(ks[0], (TOT, FEAT), dtype=jnp.float32)
    edge_index = _build_edge_index()
    y = jax.random.randint(ks[1], (BATCH,), 0, CLASSES)
    batch = jnp.repeat(jnp.arange(BATCH), N_NODES)
    n_tril = N_NODES * (N_NODES + 1) // 2
    edge_weight_param = jax.random.uniform(ks[2], (n_tril,), dtype=jnp.float32)
    s0 = 1.0 / np.sqrt(FEAT)
    W0a = jax.random.normal(ks[3], (FEAT, HID), dtype=jnp.float32) * s0
    W1a = jax.random.normal(ks[4], (FEAT, HID), dtype=jnp.float32) * s0
    ba = jnp.zeros((HID,), dtype=jnp.float32)
    s1 = 1.0 / np.sqrt(HID)
    W0b = jax.random.normal(ks[5], (HID, 1), dtype=jnp.float32) * s1
    W1b = jax.random.normal(ks[6], (HID, 1), dtype=jnp.float32) * s1
    bb = jnp.zeros((1,), dtype=jnp.float32)
    fcW = jax.random.normal(ks[7], (CLASSES, N_NODES), dtype=jnp.float32) * (1.0 / np.sqrt(N_NODES))
    fcb = jnp.zeros((CLASSES,), dtype=jnp.float32)
    return {"x": x, "edge_index": edge_index, "y": y, "batch": batch,
            "edge_weight_param": edge_weight_param,
            "W0a": W0a, "W1a": W1a, "ba": ba,
            "W0b": W0b, "W1b": W1b, "bb": bb,
            "fcW": fcW, "fcb": fcb}


def _cheb_conv_k2(x, src, dst, edge_weight, W0, W1, bias, num_nodes):
    # PyG ChebConv (K=2, sym normalization, lambda_max=2.0, node_dim=0):
    # remove self loops, build sym-normalized Laplacian, rescale, self-loop
    # diagonal of L_hat is 2/lambda_max - 1 = 0.
    mask = src != dst
    w = jnp.where(mask, edge_weight, 0.0)
    deg = jnp.zeros((num_nodes,), x.dtype).at[src].add(w)
    deg_inv_sqrt = jnp.where(deg > 0, 1.0 / jnp.sqrt(jnp.maximum(deg, 1e-12)), 0.0)
    lambda_max = 2.0
    norm = (2.0 / lambda_max) * (-deg_inv_sqrt[src] * w * deg_inv_sqrt[dst])
    loop_w = 2.0 / lambda_max - 1.0
    Tx0 = x
    out = Tx0 @ W0
    Tx1 = jnp.zeros_like(x).at[dst].add(norm[:, None] * x[src]) + loop_w * x
    out = out + Tx1 @ W1
    return out + bias


def reference(x, edge_index, y, batch, edge_weight_param, W0a, W1a, ba, W0b, W1b, bb, fcW, fcb):
    bsz = y.shape[0]
    xs, ys = jnp.tril_indices(N_NODES)
    Wm = jnp.zeros((N_NODES, N_NODES), x.dtype).at[xs, ys].set(edge_weight_param)
    Wm = Wm + Wm.T - jnp.diag(jnp.diag(Wm))
    ew = jnp.tile(Wm.reshape(-1), bsz)
    src, dst = edge_index[0], edge_index[1]
    h = _cheb_conv_k2(x, src, dst, ew, W0a, W1a, ba, x.shape[0])
    h = _cheb_conv_k2(h, src, dst, ew, W0b, W1b, bb, x.shape[0])
    h = h.reshape(bsz, N_NODES)
    # dropout is identity in eval mode
    return h @ fcW.T + fcb

if __name__ == "__main__":
    import jax
    _d = setup_inputs()
    print(jax.jit(kernel)(*tuple(_d.values())))

</pallas_src>

<mosaic_0001>
#map = affine_map<(d0, d1) -> (0)>
#map1 = affine_map<(d0, d1) -> (0, 0)>
module attributes {stable_mosaic.version = 14 : i64} {
  func.func @_sc_build_a_body(%arg0: i32, %arg1: i32, %arg2: memref<2048xf32, #tpu.memory_space<hbm>>, %arg3: memref<64x64xf32, #tpu.memory_space<hbm>>, %arg4: memref<2048xf32, #tpu.memory_space<vmem>>, %arg5: memref<64xf32, #tpu.memory_space<vmem>>) attributes {dimension_semantics = [#tpu.dimension_semantics<core_parallel>, #tpu.dimension_semantics<subcore_parallel>], iteration_bounds = array<i64: 2, 16>, scalar_prefetch = 0 : i64, scratch_operands = 2 : i64, tpu.core_type = #tpu.core_type<sc_vector_subcore>, window_params = [{transform_indices = #map}, {transform_indices = #map1}]} {
    %mul3A = arith.constant 2 : i32
    %mul3A_0 = arith.muli %arg1, %mul3A : i32
    %add3A = arith.addi %mul3A_0, %arg0 : i32
    "tpu.region"() ({
      %run_scoped3A = tpu.sem_alloc : memref<!tpu.dma_semaphore, #tpu.memory_space<semaphore_mem>>
      tpu.enqueue_dma source(%arg2 : memref<2048xf32, #tpu.memory_space<hbm>>) target(%arg4 : memref<2048xf32, #tpu.memory_space<vmem>>) target_semaphore(%run_scoped3A : memref<!tpu.dma_semaphore, #tpu.memory_space<semaphore_mem>>)
      tpu.wait_dma2 semaphore(%run_scoped3A : memref<!tpu.dma_semaphore, #tpu.memory_space<semaphore_mem>>) src(%arg2 : memref<2048xf32, #tpu.memory_space<hbm>>) dst(%arg4 : memref<2048xf32, #tpu.memory_space<vmem>>)
      tpu.yield
    }) : () -> ()
    %mul3A_1 = arith.constant 2 : i32
    %mul3A_2 = arith.muli %add3A, %mul3A_1 : i32
    %add3A_3 = arith.constant 0 : i32
    %add3A_4 = arith.addi %mul3A_2, %add3A_3 : i32
    %broadcast_in_dim3A = vector.broadcast %add3A_4 : i32 to vector<16xi32>
    %iota3A = tpu.iota {dimensions = array<i32: 0>} : vector<16xi32>
    %add3A_5 = arith.constant 0 : i32
    %add3A_6 = vector.broadcast %add3A_5 : i32 to vector<16xi32>
    %add3A_7 = arith.addi %iota3A, %add3A_6 : vector<16xi32>
    %max3A = arith.maxsi %add3A_7, %broadcast_in_dim3A : vector<16xi32>
    %min3A = arith.minsi %add3A_7, %broadcast_in_dim3A : vector<16xi32>
    %add3A_8 = arith.constant 1 : i32
    %add3A_9 = vector.broadcast %add3A_8 : i32 to vector<16xi32>
    %add3A_10 = arith.addi %max3A, %add3A_9 : vector<16xi32>
    %mul3A_11 = arith.muli %max3A, %add3A_10 : vector<16xi32>
    %shift_right_logical3A = arith.constant 1 : i32
    %shift_right_logical3A_12 = vector.broadcast %shift_right_logical3A : i32 to vector<16xi32>
    %shift_right_logical3A_13 = arith.shrui %mul3A_11, %shift_right_logical3A_12 : vector<16xi32>
    %add3A_14 = arith.addi %shift_right_logical3A_13, %min3A : vector<16xi32>
    %ne3A = arith.cmpi ne, %add3A_7, %broadcast_in_dim3A : vector<16xi32>
    %lt3A = arith.constant 62 : i32
    %lt3A_15 = vector.broadcast %lt3A : i32 to vector<16xi32>
    %lt3A_16 = arith.cmpi slt, %add3A_7, %lt3A_15 : vector<16xi32>
    %and3A = arith.andi %ne3A, %lt3A_16 : vector<16xi1>
    %lt3A_17 = arith.constant 62 : i32
    %lt3A_18 = vector.broadcast %lt3A_17 : i32 to vector<16xi32>
    %lt3A_19 = arith.cmpi slt, %broadcast_in_dim3A, %lt3A_18 : vector<16xi32>
    %and3A_20 = arith.andi %and3A, %lt3A_19 : vector<16xi1>
    %jit3A = arith.constant 2047 : i32
    %broadcast_in_dim3A_21 = vector.broadcast %jit3A : i32 to vector<16xi32>
    %select_n3A = arith.select %and3A_20, %add3A_14, %broadcast_in_dim3A_21 : vector<16xi1>, vector<16xi32>
    %gather3A = tpu.vector_load_idx %arg4[%select_n3A] : memref<2048xf32, #tpu.memory_space<vmem>>[vector<16xi32>], vector<16xf32>,
    %swap3A = arith.constant 0 : index
    %swap3A_22 = tpu.vector_load %arg5[%swap3A] {strides = array<i32>} : memref<64xf32, #tpu.memory_space<vmem>>, vector<16xf32>,
    tpu.vector_store %arg5[%swap3A], %gather3A {strides = array<i32>} : memref<64xf32, #tpu.memory_space<vmem>>, vector<16xf32>,
    %iota3A_23 = tpu.iota {dimensions = array<i32: 0>} : vector<16xi32>
    %add3A_24 = arith.constant 16 : i32
    %add3A_25 = vector.broadcast %add3A_24 : i32 to vector<16xi32>
    %add3A_26 = arith.addi %iota3A_23, %add3A_25 : vector<16xi32>
    %max3A_27 = arith.maxsi %add3A_26, %broadcast_in_dim3A : vector<16xi32>
    %min3A_28 = arith.minsi %add3A_26, %broadcast_in_dim3A : vector<16xi32>
    %add3A_29 = arith.constant 1 : i32
    %add3A_30 = vector.broadcast %add3A_29 : i32 to vector<16xi32>
    %add3A_31 = arith.addi %max3A_27, %add3A_30 : vector<16xi32>
    %mul3A_32 = arith.muli %max3A_27, %add3A_31 : vector<16xi32>
    %shift_right_logical3A_33 = arith.constant 1 : i32
    %shift_right_logical3A_34 = vector.broadcast %shift_right_logical3A_33 : i32 to vector<16xi32>
    %shift_right_logical3A_35 = arith.shrui %mul3A_32, %shift_right_logical3A_34 : vector<16xi32>
    %add3A_36 = arith.addi %shift_right_logical3A_35, %min3A_28 : vector<16xi32>
    %ne3A_37 = arith.cmpi ne, %add3A_26, %broadcast_in_dim3A : vector<16xi32>
    %lt3A_38 = arith.constant 62 : i32
    %lt3A_39 = vector.broadcast %lt3A_38 : i32 to vector<16xi32>
    %lt3A_40 = arith.cmpi slt, %add3A_26, %lt3A_39 : vector<16xi32>
    %and3A_41 = arith.andi %ne3A_37, %lt3A_40 : vector<16xi1>
    %lt3A_42 = arith.constant 62 : i32
    %lt3A_43 = vector.broadcast %lt3A_42 : i32 to vector<16xi32>
    %lt3A_44 = arith.cmpi slt, %broadcast_in_dim3A, %lt3A_43 : vector<16xi32>
    %and3A_45 = arith.andi %and3A_41, %lt3A_44 : vector<16xi1>
    %jit3A_46 = arith.constant 2047 : i32
    %broadcast_in_dim3A_47 = vector.broadcast %jit3A_46 : i32 to vector<16xi32>
    %select_n3A_48 = arith.select %and3A_45, %add3A_36, %broadcast_in_dim3A_47 : vector<16xi1>, vector<16xi32>
    %gather3A_49 = tpu.vector_load_idx %arg4[%select_n3A_48] : memref<2048xf32, #tpu.memory_space<vmem>>[vector<16xi32>], vector<16xf32>,
    %swap3A_50 = arith.constant 16 : index
    %swap3A_51 = tpu.vector_load %arg5[%swap3A_50] {strides = array<i32>} : memref<64xf32, #tpu.memory_space<vmem>>, vector<16xf32>,
    tpu.vector_store %arg5[%swap3A_50], %gather3A_49 {strides = array<i32>} : memref<64xf32, #tpu.memory_space<vmem>>, vector<16xf32>,
    %iota3A_52 = tpu.iota {dimensions = array<i32: 0>} : vector<16xi32>
    %add3A_53 = arith.constant 32 : i32
    %add3A_54 = vector.broadcast %add3A_53 : i32 to vector<16xi32>
    %add3A_55 = arith.addi %iota3A_52, %add3A_54 : vector<16xi32>
    %max3A_56 = arith.maxsi %add3A_55, %broadcast_in_dim3A : vector<16xi32>
    %min3A_57 = arith.minsi %add3A_55, %broadcast_in_dim3A : vector<16xi32>
    %add3A_58 = arith.constant 1 : i32
    %add3A_59 = vector.broadcast %add3A_58 : i32 to vector<16xi32>
    %add3A_60 = arith.addi %max3A_56, %add3A_59 : vector<16xi32>
    %mul3A_61 = arith.muli %max3A_56, %add3A_60 : vector<16xi32>
    %shift_right_logical3A_62 = arith.constant 1 : i32
    %shift_right_logical3A_63 = vector.broadcast %shift_right_logical3A_62 : i32 to vector<16xi32>
    %shift_right_logical3A_64 = arith.shrui %mul3A_61, %shift_right_logical3A_63 : vector<16xi32>
    %add3A_65 = arith.addi %shift_right_logical3A_64, %min3A_57 : vector<16xi32>
    %ne3A_66 = arith.cmpi ne, %add3A_55, %broadcast_in_dim3A : vector<16xi32>
    %lt3A_67 = arith.constant 62 : i32
    %lt3A_68 = vector.broadcast %lt3A_67 : i32 to vector<16xi32>
    %lt3A_69 = arith.cmpi slt, %add3A_55, %lt3A_68 : vector<16xi32>
    %and3A_70 = arith.andi %ne3A_66, %lt3A_69 : vector<16xi1>
    %lt3A_71 = arith.constant 62 : i32
    %lt3A_72 = vector.broadcast %lt3A_71 : i32 to vector<16xi32>
    %lt3A_73 = arith.cmpi slt, %broadcast_in_dim3A, %lt3A_72 : vector<16xi32>
    %and3A_74 = arith.andi %and3A_70, %lt3A_73 : vector<16xi1>
    %jit3A_75 = arith.constant 2047 : i32
    %broadcast_in_dim3A_76 = vector.broadcast %jit3A_75 : i32 to vector<16xi32>
    %select_n3A_77 = arith.select %and3A_74, %add3A_65, %broadcast_in_dim3A_76 : vector<16xi1>, vector<16xi32>
    %gather3A_78 = tpu.vector_load_idx %arg4[%select_n3A_77] : memref<2048xf32, #tpu.memory_space<vmem>>[vector<16xi32>], vector<16xf32>,
    %swap3A_79 = arith.constant 32 : index
    %swap3A_80 = tpu.vector_load %arg5[%swap3A_79] {strides = array<i32>} : memref<64xf32, #tpu.memory_space<vmem>>, vector<16xf32>,
    tpu.vector_store %arg5[%swap3A_79], %gather3A_78 {strides = array<i32>} : memref<64xf32, #tpu.memory_space<vmem>>, vector<16xf32>,
    %iota3A_81 = tpu.iota {dimensions = array<i32: 0>} : vector<16xi32>
    %add3A_82 = arith.constant 48 : i32
    %add3A_83 = vector.broadcast %add3A_82 : i32 to vector<16xi32>
    %add3A_84 = arith.addi %iota3A_81, %add3A_83 : vector<16xi32>
    %max3A_85 = arith.maxsi %add3A_84, %broadcast_in_dim3A : vector<16xi32>
    %min3A_86 = arith.minsi %add3A_84, %broadcast_in_dim3A : vector<16xi32>
    %add3A_87 = arith.constant 1 : i32
    %add3A_88 = vector.broadcast %add3A_87 : i32 to vector<16xi32>
    %add3A_89 = arith.addi %max3A_85, %add3A_88 : vector<16xi32>
    %mul3A_90 = arith.muli %max3A_85, %add3A_89 : vector<16xi32>
    %shift_right_logical3A_91 = arith.constant 1 : i32
    %shift_right_logical3A_92 = vector.broadcast %shift_right_logical3A_91 : i32 to vector<16xi32>
    %shift_right_logical3A_93 = arith.shrui %mul3A_90, %shift_right_logical3A_92 : vector<16xi32>
    %add3A_94 = arith.addi %shift_right_logical3A_93, %min3A_86 : vector<16xi32>
    %ne3A_95 = arith.cmpi ne, %add3A_84, %broadcast_in_dim3A : vector<16xi32>
    %lt3A_96 = arith.constant 62 : i32
    %lt3A_97 = vector.broadcast %lt3A_96 : i32 to vector<16xi32>
    %lt3A_98 = arith.cmpi slt, %add3A_84, %lt3A_97 : vector<16xi32>
    %and3A_99 = arith.andi %ne3A_95, %lt3A_98 : vector<16xi1>
    %lt3A_100 = arith.constant 62 : i32
    %lt3A_101 = vector.broadcast %lt3A_100 : i32 to vector<16xi32>
    %lt3A_102 = arith.cmpi slt, %broadcast_in_dim3A, %lt3A_101 : vector<16xi32>
    %and3A_103 = arith.andi %and3A_99, %lt3A_102 : vector<16xi1>
    %jit3A_104 = arith.constant 2047 : i32
    %broadcast_in_dim3A_105 = vector.broadcast %jit3A_104 : i32 to vector<16xi32>
    %select_n3A_106 = arith.select %and3A_103, %add3A_94, %broadcast_in_dim3A_105 : vector<16xi1>, vector<16xi32>
    %gather3A_107 = tpu.vector_load_idx %arg4[%select_n3A_106] : memref<2048xf32, #tpu.memory_space<vmem>>[vector<16xi32>], vector<16xf32>,
    %swap3A_108 = arith.constant 48 : index
    %swap3A_109 = tpu.vector_load %arg5[%swap3A_108] {strides = array<i32>} : memref<64xf32, #tpu.memory_space<vmem>>, vector<16xf32>,
    tpu.vector_store %arg5[%swap3A_108], %gather3A_107 {strides = array<i32>} : memref<64xf32, #tpu.memory_space<vmem>>, vector<16xf32>,
    "tpu.region"() ({
      %run_scoped3A = tpu.sem_alloc : memref<!tpu.dma_semaphore, #tpu.memory_space<semaphore_mem>>
      %dma_start3A = arith.constant 0 : i32
      %dma_start3A_231 = tpu.memref_slice %arg3[%add3A_4, %dma_start3A] : memref<64x64xf32, #tpu.memory_space<hbm>> -> memref<1x64xf32, #tpu.memory_space<hbm>>
      %dma_start3A_232 = tpu.memref_squeeze %dma_start3A_231 : memref<1x64xf32, #tpu.memory_space<hbm>> -> memref<64xf32, #tpu.memory_space<hbm>>
      %dma_start3A_233 = arith.constant 0 : i32
      %dma_start3A_234 = tpu.memref_slice %arg3[%add3A_4, %dma_start3A_233] : memref<64x64xf32, #tpu.memory_space<hbm>> -> memref<1x64xf32, #tpu.memory_space<hbm>>
      %dma_start3A_235 = tpu.memref_squeeze %dma_start3A_234 : memref<1x64xf32, #tpu.memory_space<hbm>> -> memref<64xf32, #tpu.memory_space<hbm>>
      tpu.enqueue_dma source(%arg5 : memref<64xf32, #tpu.memory_space<vmem>>) target(%dma_start3A_235 : memref<64xf32, #tpu.memory_space<hbm>>) target_semaphore(%run_scoped3A : memref<!tpu.dma_semaphore, #tpu.memory_space<semaphore_mem>>)
      %dma_wait3A = arith.constant 0 : i32
      %dma_wait3A_236 = tpu.memref_slice %arg3[%add3A_4, %dma_wait3A] : memref<64x64xf32, #tpu.memory_space<hbm>> -> memref<1x64xf32, #tpu.memory_space<hbm>>
      %dma_wait3A_237 = tpu.memref_squeeze %dma_wait3A_236 : memref<1x64xf32, #tpu.memory_space<hbm>> -> memref<64xf32, #tpu.memory_space<hbm>>
      %dma_wait3A_238 = arith.constant 0 : i32
      %dma_wait3A_239 = tpu.memref_slice %arg3[%add3A_4, %dma_wait3A_238] : memref<64x64xf32, #tpu.memory_space<hbm>> -> memref<1x64xf32, #tpu.memory_space<hbm>>
      %dma_wait3A_240 = tpu.memref_squeeze %dma_wait3A_239 : memref<1x64xf32, #tpu.memory_space<hbm>> -> memref<64xf32, #tpu.memory_space<hbm>>
      tpu.wait_dma2 semaphore(%run_scoped3A : memref<!tpu.dma_semaphore, #tpu.memory_space<semaphore_mem>>) src(%arg5 : memref<64xf32, #tpu.memory_space<vmem>>) dst(%dma_wait3A_240 : memref<64xf32, #tpu.memory_space<hbm>>)
      tpu.yield
    }) : () -> ()
    %mul3A_110 = arith.constant 2 : i32
    %mul3A_111 = arith.muli %add3A, %mul3A_110 : i32
    %add3A_112 = arith.constant 1 : i32
    %add3A_113 = arith.addi %mul3A_111, %add3A_112 : i32
    %broadcast_in_dim3A_114 = vector.broadcast %add3A_113 : i32 to vector<16xi32>
    %iota3A_115 = tpu.iota {dimensions = array<i32: 0>} : vector<16xi32>
    %add3A_116 = arith.constant 0 : i32
    %add3A_117 = vector.broadcast %add3A_116 : i32 to vector<16xi32>
    %add3A_118 = arith.addi %iota3A_115, %add3A_117 : vector<16xi32>
    %max3A_119 = arith.maxsi %add3A_118, %broadcast_in_dim3A_114 : vector<16xi32>
    %min3A_120 = arith.minsi %add3A_118, %broadcast_in_dim3A_114 : vector<16xi32>
    %add3A_121 = arith.constant 1 : i32
    %add3A_122 = vector.broadcast %add3A_121 : i32 to vector<16xi32>
    %add3A_123 = arith.addi %max3A_119, %add3A_122 : vector<16xi32>
    %mul3A_124 = arith.muli %max3A_119, %add3A_123 : vector<16xi32>
    %shift_right_logical3A_125 = arith.constant 1 : i32
    %shift_right_logical3A_126 = vector.broadcast %shift_right_logical3A_125 : i32 to vector<16xi32>
    %shift_right_logical3A_127 = arith.shrui %mul3A_124, %shift_right_logical3A_126 : vector<16xi32>
    %add3A_128 = arith.addi %shift_right_logical3A_127, %min3A_120 : vector<16xi32>
    %ne3A_129 = arith.cmpi ne, %add3A_118, %broadcast_in_dim3A_114 : vector<16xi32>
    %lt3A_130 = arith.constant 62 : i32
    %lt3A_131 = vector.broadcast %lt3A_130 : i32 to vector<16xi32>
    %lt3A_132 = arith.cmpi slt, %add3A_118, %lt3A_131 : vector<16xi32>
    %and3A_133 = arith.andi %ne3A_129, %lt3A_132 : vector<16xi1>
    %lt3A_134 = arith.constant 62 : i32
    %lt3A_135 = vector.broadcast %lt3A_134 : i32 to vector<16xi32>
    %lt3A_136 = arith.cmpi slt, %broadcast_in_dim3A_114, %lt3A_135 : vector<16xi32>
    %and3A_137 = arith.andi %and3A_133, %lt3A_136 : vector<16xi1>
    %jit3A_138 = arith.constant 2047 : i32
    %broadcast_in_dim3A_139 = vector.broadcast %jit3A_138 : i32 to vector<16xi32>
    %select_n3A_140 = arith.select %and3A_137, %add3A_128, %broadcast_in_dim3A_139 : vector<16xi1>, vector<16xi32>
    %gather3A_141 = tpu.vector_load_idx %arg4[%select_n3A_140] : memref<2048xf32, #tpu.memory_space<vmem>>[vector<16xi32>], vector<16xf32>,
    %swap3A_142 = arith.constant 0 : index
    %swap3A_143 = tpu.vector_load %arg5[%swap3A_142] {strides = array<i32>} : memref<64xf32, #tpu.memory_space<vmem>>, vector<16xf32>,
    tpu.vector_store %arg5[%swap3A_142], %gather3A_141 {strides = array<i32>} : memref<64xf32, #tpu.memory_space<vmem>>, vector<16xf32>,
    %iota3A_144 = tpu.iota {dimensions = array<i32: 0>} : vector<16xi32>
    %add3A_145 = arith.constant 16 : i32
    %add3A_146 = vector.broadcast %add3A_145 : i32 to vector<16xi32>
    %add3A_147 = arith.addi %iota3A_144, %add3A_146 : vector<16xi32>
    %max3A_148 = arith.maxsi %add3A_147, %broadcast_in_dim3A_114 : vector<16xi32>
    %min3A_149 = arith.minsi %add3A_147, %broadcast_in_dim3A_114 : vector<16xi32>
    %add3A_150 = arith.constant 1 : i32
    %add3A_151 = vector.broadcast %add3A_150 : i32 to vector<16xi32>
    %add3A_152 = arith.addi %max3A_148, %add3A_151 : vector<16xi32>
    %mul3A_153 = arith.muli %max3A_148, %add3A_152 : vector<16xi32>
    %shift_right_logical3A_154 = arith.constant 1 : i32
    %shift_right_logical3A_155 = vector.broadcast %shift_right_logical3A_154 : i32 to vector<16xi32>
    %shift_right_logical3A_156 = arith.shrui %mul3A_153, %shift_right_logical3A_155 : vector<16xi32>
    %add3A_157 = arith.addi %shift_right_logical3A_156, %min3A_149 : vector<16xi32>
    %ne3A_158 = arith.cmpi ne, %add3A_147, %broadcast_in_dim3A_114 : vector<16xi32>
    %lt3A_159 = arith.constant 62 : i32
    %lt3A_160 = vector.broadcast %lt3A_159 : i32 to vector<16xi32>
    %lt3A_161 = arith.cmpi slt, %add3A_147, %lt3A_160 : vector<16xi32>
    %and3A_162 = arith.andi %ne3A_158, %lt3A_161 : vector<16xi1>
    %lt3A_163 = arith.constant 62 : i32
    %lt3A_164 = vector.broadcast %lt3A_163 : i32 to vector<16xi32>
    %lt3A_165 = arith.cmpi slt, %broadcast_in_dim3A_114, %lt3A_164 : vector<16xi32>
    %and3A_166 = arith.andi %and3A_162, %lt3A_165 : vector<16xi1>
    %jit3A_167 = arith.constant 2047 : i32
    %broadcast_in_dim3A_168 = vector.broadcast %jit3A_167 : i32 to vector<16xi32>
    %select_n3A_169 = arith.select %and3A_166, %add3A_157, %broadcast_in_dim3A_168 : vector<16xi1>, vector<16xi32>
    %gather3A_170 = tpu.vector_load_idx %arg4[%select_n3A_169] : memref<2048xf32, #tpu.memory_space<vmem>>[vector<16xi32>], vector<16xf32>,
    %swap3A_171 = arith.constant 16 : index
    %swap3A_172 = tpu.vector_load %arg5[%swap3A_171] {strides = array<i32>} : memref<64xf32, #tpu.memory_space<vmem>>, vector<16xf32>,
    tpu.vector_store %arg5[%swap3A_171], %gather3A_170 {strides = array<i32>} : memref<64xf32, #tpu.memory_space<vmem>>, vector<16xf32>,
    %iota3A_173 = tpu.iota {dimensions = array<i32: 0>} : vector<16xi32>
    %add3A_174 = arith.constant 32 : i32
    %add3A_175 = vector.broadcast %add3A_174 : i32 to vector<16xi32>
    %add3A_176 = arith.addi %iota3A_173, %add3A_175 : vector<16xi32>
    %max3A_177 = arith.maxsi %add3A_176, %broadcast_in_dim3A_114 : vector<16xi32>
    %min3A_178 = arith.minsi %add3A_176, %broadcast_in_dim3A_114 : vector<16xi32>
    %add3A_179 = arith.constant 1 : i32
    %add3A_180 = vector.broadcast %add3A_179 : i32 to vector<16xi32>
    %add3A_181 = arith.addi %max3A_177, %add3A_180 : vector<16xi32>
    %mul3A_182 = arith.muli %max3A_177, %add3A_181 : vector<16xi32>
    %shift_right_logical3A_183 = arith.constant 1 : i32
    %shift_right_logical3A_184 = vector.broadcast %shift_right_logical3A_183 : i32 to vector<16xi32>
    %shift_right_logical3A_185 = arith.shrui %mul3A_182, %shift_right_logical3A_184 : vector<16xi32>
    %add3A_186 = arith.addi %shift_right_logical3A_185, %min3A_178 : vector<16xi32>
    %ne3A_187 = arith.cmpi ne, %add3A_176, %broadcast_in_dim3A_114 : vector<16xi32>
    %lt3A_188 = arith.constant 62 : i32
    %lt3A_189 = vector.broadcast %lt3A_188 : i32 to vector<16xi32>
    %lt3A_190 = arith.cmpi slt, %add3A_176, %lt3A_189 : vector<16xi32>
    %and3A_191 = arith.andi %ne3A_187, %lt3A_190 : vector<16xi1>
    %lt3A_192 = arith.constant 62 : i32
    %lt3A_193 = vector.broadcast %lt3A_192 : i32 to vector<16xi32>
    %lt3A_194 = arith.cmpi slt, %broadcast_in_dim3A_114, %lt3A_193 : vector<16xi32>
    %and3A_195 = arith.andi %and3A_191, %lt3A_194 : vector<16xi1>
    %jit3A_196 = arith.constant 2047 : i32
    %broadcast_in_dim3A_197 = vector.broadcast %jit3A_196 : i32 to vector<16xi32>
    %select_n3A_198 = arith.select %and3A_195, %add3A_186, %broadcast_in_dim3A_197 : vector<16xi1>, vector<16xi32>
    %gather3A_199 = tpu.vector_load_idx %arg4[%select_n3A_198] : memref<2048xf32, #tpu.memory_space<vmem>>[vector<16xi32>], vector<16xf32>,
    %swap3A_200 = arith.constant 32 : index
    %swap3A_201 = tpu.vector_load %arg5[%swap3A_200] {strides = array<i32>} : memref<64xf32, #tpu.memory_space<vmem>>, vector<16xf32>,
    tpu.vector_store %arg5[%swap3A_200], %gather3A_199 {strides = array<i32>} : memref<64xf32, #tpu.memory_space<vmem>>, vector<16xf32>,
    %iota3A_202 = tpu.iota {dimensions = array<i32: 0>} : vector<16xi32>
    %add3A_203 = arith.constant 48 : i32
    %add3A_204 = vector.broadcast %add3A_203 : i32 to vector<16xi32>
    %add3A_205 = arith.addi %iota3A_202, %add3A_204 : vector<16xi32>
    %max3A_206 = arith.maxsi %add3A_205, %broadcast_in_dim3A_114 : vector<16xi32>
    %min3A_207 = arith.minsi %add3A_205, %broadcast_in_dim3A_114 : vector<16xi32>
    %add3A_208 = arith.constant 1 : i32
    %add3A_209 = vector.broadcast %add3A_208 : i32 to vector<16xi32>
    %add3A_210 = arith.addi %max3A_206, %add3A_209 : vector<16xi32>
    %mul3A_211 = arith.muli %max3A_206, %add3A_210 : vector<16xi32>
    %shift_right_logical3A_212 = arith.constant 1 : i32
    %shift_right_logical3A_213 = vector.broadcast %shift_right_logical3A_212 : i32 to vector<16xi32>
    %shift_right_logical3A_214 = arith.shrui %mul3A_211, %shift_right_logical3A_213 : vector<16xi32>
    %add3A_215 = arith.addi %shift_right_logical3A_214, %min3A_207 : vector<16xi32>
    %ne3A_216 = arith.cmpi ne, %add3A_205, %broadcast_in_dim3A_114 : vector<16xi32>
    %lt3A_217 = arith.constant 62 : i32
    %lt3A_218 = vector.broadcast %lt3A_217 : i32 to vector<16xi32>
    %lt3A_219 = arith.cmpi slt, %add3A_205, %lt3A_218 : vector<16xi32>
    %and3A_220 = arith.andi %ne3A_216, %lt3A_219 : vector<16xi1>
    %lt3A_221 = arith.constant 62 : i32
    %lt3A_222 = vector.broadcast %lt3A_221 : i32 to vector<16xi32>
    %lt3A_223 = arith.cmpi slt, %broadcast_in_dim3A_114, %lt3A_222 : vector<16xi32>
    %and3A_224 = arith.andi %and3A_220, %lt3A_223 : vector<16xi1>
    %jit3A_225 = arith.constant 2047 : i32
    %broadcast_in_dim3A_226 = vector.broadcast %jit3A_225 : i32 to vector<16xi32>
    %select_n3A_227 = arith.select %and3A_224, %add3A_215, %broadcast_in_dim3A_226 : vector<16xi1>, vector<16xi32>
    %gather3A_228 = tpu.vector_load_idx %arg4[%select_n3A_227] : memref<2048xf32, #tpu.memory_space<vmem>>[vector<16xi32>], vector<16xf32>,
    %swap3A_229 = arith.constant 48 : index
    %swap3A_230 = tpu.vector_load %arg5[%swap3A_229] {strides = array<i32>} : memref<64xf32, #tpu.memory_space<vmem>>, vector<16xf32>,
    tpu.vector_store %arg5[%swap3A_229], %gather3A_228 {strides = array<i32>} : memref<64xf32, #tpu.memory_space<vmem>>, vector<16xf32>,
    "tpu.region"() ({
      %run_scoped3A = tpu.sem_alloc : memref<!tpu.dma_semaphore, #tpu.memory_space<semaphore_mem>>
      %dma_start3A = arith.constant 0 : i32
      %dma_start3A_231 = tpu.memref_slice %arg3[%add3A_113, %dma_start3A] : memref<64x64xf32, #tpu.memory_space<hbm>> -> memref<1x64xf32, #tpu.memory_space<hbm>>
      %dma_start3A_232 = tpu.memref_squeeze %dma_start3A_231 : memref<1x64xf32, #tpu.memory_space<hbm>> -> memref<64xf32, #tpu.memory_space<hbm>>
      %dma_start3A_233 = arith.constant 0 : i32
      %dma_start3A_234 = tpu.memref_slice %arg3[%add3A_113, %dma_start3A_233] : memref<64x64xf32, #tpu.memory_space<hbm>> -> memref<1x64xf32, #tpu.memory_space<hbm>>
      %dma_start3A_235 = tpu.memref_squeeze %dma_start3A_234 : memref<1x64xf32, #tpu.memory_space<hbm>> -> memref<64xf32, #tpu.memory_space<hbm>>
      tpu.enqueue_dma source(%arg5 : memref<64xf32, #tpu.memory_space<vmem>>) target(%dma_start3A_235 : memref<64xf32, #tpu.memory_space<hbm>>) target_semaphore(%run_scoped3A : memref<!tpu.dma_semaphore, #tpu.memory_space<semaphore_mem>>)
      %dma_wait3A = arith.constant 0 : i32
      %dma_wait3A_236 = tpu.memref_slice %arg3[%add3A_113, %dma_wait3A] : memref<64x64xf32, #tpu.memory_space<hbm>> -> memref<1x64xf32, #tpu.memory_space<hbm>>
      %dma_wait3A_237 = tpu.memref_squeeze %dma_wait3A_236 : memref<1x64xf32, #tpu.memory_space<hbm>> -> memref<64xf32, #tpu.memory_space<hbm>>
      %dma_wait3A_238 = arith.constant 0 : i32
      %dma_wait3A_239 = tpu.memref_slice %arg3[%add3A_113, %dma_wait3A_238] : memref<64x64xf32, #tpu.memory_space<hbm>> -> memref<1x64xf32, #tpu.memory_space<hbm>>
      %dma_wait3A_240 = tpu.memref_squeeze %dma_wait3A_239 : memref<1x64xf32, #tpu.memory_space<hbm>> -> memref<64xf32, #tpu.memory_space<hbm>>
      tpu.wait_dma2 semaphore(%run_scoped3A : memref<!tpu.dma_semaphore, #tpu.memory_space<semaphore_mem>>) src(%arg5 : memref<64xf32, #tpu.memory_space<vmem>>) dst(%dma_wait3A_240 : memref<64xf32, #tpu.memory_space<hbm>>)
      tpu.yield
    }) : () -> ()
    return
  }
}

module attributes {stable_mosaic.version = 14 : i64} {
  func.func @_eeg_kernel(%arg0: memref<256x3968xf32, #tpu.memory_space<vmem>>, %arg1: memref<64x64xf32, #tpu.memory_space<vmem>>, %arg2: memref<64x64xf32, #tpu.memory_space<vmem>>, %arg3: memref<64x64xf32, #tpu.memory_space<vmem>>, %arg4: memref<64x1xf32, #tpu.memory_space<vmem>>, %arg5: memref<64x1xf32, #tpu.memory_space<vmem>>, %arg6: memref<1x64xf32, #tpu.memory_space<vmem>>, %arg7: memref<1x1xf32, #tpu.memory_space<vmem>>, %arg8: memref<3x62xf32, #tpu.memory_space<vmem>>, %arg9: memref<1x3xf32, #tpu.memory_space<vmem>>, %arg10: memref<256x3xf32, #tpu.memory_space<vmem>>) attributes {dimension_semantics = [], scalar_prefetch = 0 : i64, scratch_operands = 0 : i64, tpu.core_type = #tpu.core_type<tc>} {
    %get3A = arith.constant 0 : index
    %get3A_0 = arith.constant 0 : index
    %get3A_1 = vector.load %arg1[%get3A, %get3A_0] : memref<64x64xf32, #tpu.memory_space<vmem>>, vector<64x64xf32>
    %reduce_sum3A = arith.constant dense<0.000000e+00> : vector<64xf32>
    %reduce_sum3A_2 = vector.multi_reduction <add>, %get3A_1, %reduce_sum3A [1] : vector<64x64xf32> to vector<64xf32>
    %broadcast_in_dim3A = vector.shape_cast %reduce_sum3A_2 : vector<64xf32> to vector<64x1xf32>
    %reduce_sum3A_3 = arith.constant dense<0.000000e+00> : vector<64xf32>
    %reduce_sum3A_4 = vector.multi_reduction <add>, %get3A_1, %reduce_sum3A_3 [0] : vector<64x64xf32> to vector<64xf32>
    %broadcast_in_dim3A_5 = vector.shape_cast %reduce_sum3A_4 : vector<64xf32> to vector<1x64xf32>
    %gt3A = arith.constant 0.000000e+00 : f32
    %gt3A_6 = vector.broadcast %gt3A : f32 to vector<64x1xf32>
    %gt3A_7 = arith.cmpf ogt, %broadcast_in_dim3A, %gt3A_6 : vector<64x1xf32>
    %max3A = arith.constant 9.99999996E-13 : f32
    %max3A_8 = vector.broadcast %max3A : f32 to vector<64x1xf32>
    %max3A_9 = arith.maximumf %broadcast_in_dim3A, %max3A_8 : vector<64x1xf32>
    %sqrt3A = math.sqrt %max3A_9 : vector<64x1xf32>
    %div3A = arith.constant 1.000000e+00 : f32
    %div3A_10 = vector.broadcast %div3A : f32 to vector<64x1xf32>
    %div3A_11 = arith.divf %div3A_10, %sqrt3A : vector<64x1xf32>
    %jit3A = arith.constant 0.000000e+00 : f32
    %broadcast_in_dim3A_12 = vector.broadcast %jit3A : f32 to vector<64x1xf32>
    %select_n3A = arith.select %gt3A_7, %div3A_11, %broadcast_in_dim3A_12 : vector<64x1xi1>, vector<64x1xf32>
    %gt3A_13 = arith.constant 0.000000e+00 : f32
    %gt3A_14 = vector.broadcast %gt3A_13 : f32 to vector<1x64xf32>
    %gt3A_15 = arith.cmpf ogt, %broadcast_in_dim3A_5, %gt3A_14 : vector<1x64xf32>
    %max3A_16 = arith.constant 9.99999996E-13 : f32
    %max3A_17 = vector.broadcast %max3A_16 : f32 to vector<1x64xf32>
    %max3A_18 = arith.maximumf %broadcast_in_dim3A_5, %max3A_17 : vector<1x64xf32>
    %sqrt3A_19 = math.sqrt %max3A_18 : vector<1x64xf32>
    %div3A_20 = arith.constant 1.000000e+00 : f32
    %div3A_21 = vector.broadcast %div3A_20 : f32 to vector<1x64xf32>
    %div3A_22 = arith.divf %div3A_21, %sqrt3A_19 : vector<1x64xf32>
    %jit3A_23 = arith.constant 0.000000e+00 : f32
    %broadcast_in_dim3A_24 = vector.broadcast %jit3A_23 : f32 to vector<1x64xf32>
    %select_n3A_25 = arith.select %gt3A_15, %div3A_22, %broadcast_in_dim3A_24 : vector<1x64xi1>, vector<1x64xf32>
    %mul3A = vector.broadcast %select_n3A : vector<64x1xf32> to vector<64x64xf32>
    %mul3A_26 = arith.mulf %mul3A, %get3A_1 : vector<64x64xf32>
    %mul3A_27 = vector.broadcast %select_n3A_25 : vector<1x64xf32> to vector<64x64xf32>
    %mul3A_28 = arith.mulf %mul3A_26, %mul3A_27 : vector<64x64xf32>
    %neg3A = arith.constant 0.000000e+00 : f32
    %neg3A_29 = vector.broadcast %neg3A : f32 to vector<64x64xf32>
    %neg3A_30 = arith.subf %neg3A_29, %mul3A_28 : vector<64x64xf32>
    %reduce_sum3A_31 = arith.constant dense<0.000000e+00> : vector<64xf32>
    %reduce_sum3A_32 = vector.multi_reduction <add>, %neg3A_30, %reduce_sum3A_31 [0] : vector<64x64xf32> to vector<64xf32>
    %broadcast_in_dim3A_33 = vector.shape_cast %reduce_sum3A_32 : vector<64xf32> to vector<1x64xf32>
    %get3A_34 = arith.constant 0 : index
    %get3A_35 = arith.constant 0 : index
    %get3A_36 = vector.load %arg2[%get3A_34, %get3A_35] : memref<64x64xf32, #tpu.memory_space<vmem>>, vector<64x64xf32>
    %get3A_37 = arith.constant 0 : index
    %get3A_38 = arith.constant 0 : index
    %get3A_39 = vector.load %arg3[%get3A_37, %get3A_38] : memref<64x64xf32, #tpu.memory_space<vmem>>, vector<64x64xf32>
    %get3A_40 = arith.constant 0 : index
    %get3A_41 = arith.constant 0 : index
    %get3A_42 = vector.load %arg4[%get3A_40, %get3A_41] : memref<64x1xf32, #tpu.memory_space<vmem>>, vector<64x1xf32>
    %get3A_43 = arith.constant 0 : index
    %get3A_44 = arith.constant 0 : index
    %get3A_45 = vector.load %arg5[%get3A_43, %get3A_44] : memref<64x1xf32, #tpu.memory_space<vmem>>, vector<64x1xf32>
    %dot_general3A = arith.constant dense<0.000000e+00> : vector<64x1xf32>
    %dot_general3A_46 = tpu.matmul %get3A_36, %get3A_42, %dot_general3A {dimension_numbers = #tpu.dot_dimension_numbers<[1], [0], [0], [1], [0, 0, 1, 1], [], []>, precision = #tpu.contract_precision<fp32>, transpose_lhs_hint = false} : vector<64x64xf32>, vector<64x1xf32>, vector<64x1xf32> -> vector<64x1xf32>
    %dot_general3A_47 = arith.constant dense<0.000000e+00> : vector<64x1xf32>
    %dot_general3A_48 = tpu.matmul %get3A_36, %get3A_45, %dot_general3A_47 {dimension_numbers = #tpu.dot_dimension_numbers<[1], [0], [0], [1], [0, 0, 1, 1], [], []>, precision = #tpu.contract_precision<fp32>, transpose_lhs_hint = false} : vector<64x64xf32>, vector<64x1xf32>, vector<64x1xf32> -> vector<64x1xf32>
    %dot_general3A_49 = arith.constant dense<0.000000e+00> : vector<64x1xf32>
    %dot_general3A_50 = tpu.matmul %get3A_39, %get3A_42, %dot_general3A_49 {dimension_numbers = #tpu.dot_dimension_numbers<[1], [0], [0], [1], [0, 0, 1, 1], [], []>, precision = #tpu.contract_precision<fp32>, transpose_lhs_hint = false} : vector<64x64xf32>, vector<64x1xf32>, vector<64x1xf32> -> vector<64x1xf32>
    %add3A = arith.addf %dot_general3A_48, %dot_general3A_50 : vector<64x1xf32>
    %dot_general3A_51 = arith.constant dense<0.000000e+00> : vector<64x1xf32>
    %dot_general3A_52 = tpu.matmul %get3A_39, %get3A_45, %dot_general3A_51 {dimension_numbers = #tpu.dot_dimension_numbers<[1], [0], [0], [1], [0, 0, 1, 1], [], []>, precision = #tpu.contract_precision<fp32>, transpose_lhs_hint = false} : vector<64x64xf32>, vector<64x1xf32>, vector<64x1xf32> -> vector<64x1xf32>
    %get3A_53 = arith.constant 0 : index
    %get3A_54 = arith.constant 0 : index
    %get3A_55 = vector.load %arg6[%get3A_53, %get3A_54] : memref<1x64xf32, #tpu.memory_space<vmem>>, vector<1x64xf32>
    %dot_general3A_56 = arith.constant dense<0.000000e+00> : vector<1x1xf32>
    %dot_general3A_57 = tpu.matmul %get3A_55, %get3A_42, %dot_general3A_56 {dimension_numbers = #tpu.dot_dimension_numbers<[1], [0], [0], [1], [0, 0, 1, 1], [], []>, precision = #tpu.contract_precision<fp32>, transpose_lhs_hint = false} : vector<1x64xf32>, vector<64x1xf32>, vector<1x1xf32> -> vector<1x1xf32>
    %get3A_58 = arith.constant 0 : index
    %get3A_59 = arith.constant 0 : index
    %get3A_60 = vector.load %arg7[%get3A_58, %get3A_59] : memref<1x1xf32, #tpu.memory_space<vmem>>, vector<1x1xf32>
    %add3A_61 = arith.addf %dot_general3A_57, %get3A_60 : vector<1x1xf32>
    %get3A_62 = arith.constant 0 : index
    %get3A_63 = arith.constant 0 : index
    %get3A_64 = vector.load %arg6[%get3A_62, %get3A_63] : memref<1x64xf32, #tpu.memory_space<vmem>>, vector<1x64xf32>
    %dot_general3A_65 = arith.constant dense<0.000000e+00> : vector<1x1xf32>
    %dot_general3A_66 = tpu.matmul %get3A_64, %get3A_45, %dot_general3A_65 {dimension_numbers = #tpu.dot_dimension_numbers<[1], [0], [0], [1], [0, 0, 1, 1], [], []>, precision = #tpu.contract_precision<fp32>, transpose_lhs_hint = false} : vector<1x64xf32>, vector<64x1xf32>, vector<1x1xf32> -> vector<1x1xf32>
    %get3A_67 = arith.constant 0 : index
    %get3A_68 = arith.constant 0 : index
    %get3A_69 = vector.load %arg8[%get3A_67, %get3A_68] : memref<3x62xf32, #tpu.memory_space<vmem>>, vector<3x62xf32>
    %transpose3A = tpu.transpose %get3A_69, [1, 0] : vector<3x62xf32> -> vector<62x3xf32>
    %broadcast_in_dim3A_70 = arith.constant 0.000000e+00 : f32
    %broadcast_in_dim3A_71 = vector.broadcast %broadcast_in_dim3A_70 : f32 to vector<2x3xf32>
    %concatenate3A = tpu.concatenate %transpose3A, %broadcast_in_dim3A_71 in 0 : vector<62x3xf32>, vector<2x3xf32> -> vector<64x3xf32>
    %dot_general3A_72 = arith.constant dense<0.000000e+00> : vector<64x3xf32>
    %dot_general3A_73 = tpu.matmul %neg3A_30, %concatenate3A, %dot_general3A_72 {dimension_numbers = #tpu.dot_dimension_numbers<[1], [0], [0], [1], [0, 0, 1, 1], [], []>, precision = #tpu.contract_precision<fp32>, transpose_lhs_hint = false} : vector<64x64xf32>, vector<64x3xf32>, vector<64x3xf32> -> vector<64x3xf32>
    %dot_general3A_74 = arith.constant dense<0.000000e+00> : vector<64x3xf32>
    %dot_general3A_75 = tpu.matmul %neg3A_30, %dot_general3A_73, %dot_general3A_74 {dimension_numbers = #tpu.dot_dimension_numbers<[1], [0], [0], [1], [0, 0, 1, 1], [], []>, precision = #tpu.contract_precision<fp32>, transpose_lhs_hint = false} : vector<64x64xf32>, vector<64x3xf32>, vector<64x3xf32> -> vector<64x3xf32>
    %reshape3A = vector.shape_cast %dot_general3A_46 : vector<64x1xf32> to vector<1x64x1xf32>
    %slice3A = vector.extract_strided_slice %concatenate3A {offsets = [0, 0], sizes = [62, 3], strides = [1, 1]} : vector<64x3xf32> to vector<62x3xf32>
    %reshape3A_76 = vector.shape_cast %slice3A : vector<62x3xf32> to vector<62x1x3xf32>
    %mul3A_77 = vector.broadcast %reshape3A : vector<1x64x1xf32> to vector<62x64x3xf32>
    %mul3A_78 = vector.broadcast %reshape3A_76 : vector<62x1x3xf32> to vector<62x64x3xf32>
    %mul3A_79 = arith.mulf %mul3A_77, %mul3A_78 : vector<62x64x3xf32>
    %reshape3A_80 = vector.shape_cast %add3A : vector<64x1xf32> to vector<1x64x1xf32>
    %slice3A_81 = vector.extract_strided_slice %dot_general3A_73 {offsets = [0, 0], sizes = [62, 3], strides = [1, 1]} : vector<64x3xf32> to vector<62x3xf32>
    %reshape3A_82 = vector.shape_cast %slice3A_81 : vector<62x3xf32> to vector<62x1x3xf32>
    %mul3A_83 = vector.broadcast %reshape3A_80 : vector<1x64x1xf32> to vector<62x64x3xf32>
    %mul3A_84 = vector.broadcast %reshape3A_82 : vector<62x1x3xf32> to vector<62x64x3xf32>
    %mul3A_85 = arith.mulf %mul3A_83, %mul3A_84 : vector<62x64x3xf32>
    %add3A_86 = arith.addf %mul3A_79, %mul3A_85 : vector<62x64x3xf32>
    %reshape3A_87 = vector.shape_cast %dot_general3A_52 : vector<64x1xf32> to vector<1x64x1xf32>
    %slice3A_88 = vector.extract_strided_slice %dot_general3A_75 {offsets = [0, 0], sizes = [62, 3], strides = [1, 1]} : vector<64x3xf32> to vector<62x3xf32>
    %reshape3A_89 = vector.shape_cast %slice3A_88 : vector<62x3xf32> to vector<62x1x3xf32>
    %mul3A_90 = vector.broadcast %reshape3A_87 : vector<1x64x1xf32> to vector<62x64x3xf32>
    %mul3A_91 = vector.broadcast %reshape3A_89 : vector<62x1x3xf32> to vector<62x64x3xf32>
    %mul3A_92 = arith.mulf %mul3A_90, %mul3A_91 : vector<62x64x3xf32>
    %add3A_93 = arith.addf %add3A_86, %mul3A_92 : vector<62x64x3xf32>
    %reshape3A_94 = vector.shape_cast %add3A_93 : vector<62x64x3xf32> to vector<3968x3xf32>
    %mul3A_95 = vector.broadcast %dot_general3A_66 : vector<1x1xf32> to vector<1x64xf32>
    %mul3A_96 = arith.mulf %mul3A_95, %broadcast_in_dim3A_33 : vector<1x64xf32>
    %add3A_97 = vector.broadcast %add3A_61 : vector<1x1xf32> to vector<1x64xf32>
    %add3A_98 = arith.addf %add3A_97, %mul3A_96 : vector<1x64xf32>
    %dot_general3A_99 = arith.constant dense<0.000000e+00> : vector<1x3xf32>
    %dot_general3A_100 = tpu.matmul %add3A_98, %concatenate3A, %dot_general3A_99 {dimension_numbers = #tpu.dot_dimension_numbers<[1], [0], [0], [1], [0, 0, 1, 1], [], []>, precision = #tpu.contract_precision<fp32>, transpose_lhs_hint = false} : vector<1x64xf32>, vector<64x3xf32>, vector<1x3xf32> -> vector<1x3xf32>
    %get3A_101 = arith.constant 0 : index
    %get3A_102 = arith.constant 0 : index
    %get3A_103 = vector.load %arg0[%get3A_101, %get3A_102] : memref<256x3968xf32, #tpu.memory_space<vmem>>, vector<256x3968xf32>
    %dot_general3A_104 = arith.constant dense<0.000000e+00> : vector<256x3xf32>
    %dot_general3A_105 = tpu.matmul %get3A_103, %reshape3A_94, %dot_general3A_104 {dimension_numbers = #tpu.dot_dimension_numbers<[1], [0], [0], [1], [0, 0, 1, 1], [], []>, transpose_lhs_hint = false} : vector<256x3968xf32>, vector<3968x3xf32>, vector<256x3xf32> -> vector<256x3xf32>
    %add3A_106 = vector.broadcast %dot_general3A_100 : vector<1x3xf32> to vector<256x3xf32>
    %add3A_107 = arith.addf %dot_general3A_105, %add3A_106 : vector<256x3xf32>
    %get3A_108 = arith.constant 0 : index
    %get3A_109 = arith.constant 0 : index
    %get3A_110 = vector.load %arg9[%get3A_108, %get3A_109] : memref<1x3xf32, #tpu.memory_space<vmem>>, vector<1x3xf32>
    %add3A_111 = vector.broadcast %get3A_110 : vector<1x3xf32> to vector<256x3xf32>
    %add3A_112 = arith.addf %add3A_107, %add3A_111 : vector<256x3xf32>
    %swap3A = arith.constant 0 : index
    %swap3A_113 = arith.constant 0 : index
    %swap3A_114 = vector.load %arg10[%swap3A, %swap3A_113] : memref<256x3xf32, #tpu.memory_space<vmem>>, vector<256x3xf32>
    tpu.vector_store %arg10[%swap3A, %swap3A_113], %add3A_112 {strides = array<i32>} : memref<256x3xf32, #tpu.memory_space<vmem>>, vector<256x3xf32>,
    return
  }
}

</mosaic_0001>

<sc_bundles>
// kernel: kernel.4.cloned.1.call-start
scs
__scs_entry_jumppad:
0x0: {  	(pc) =	sbr.rel $0x88, $3  }
0x1: {  	(tag) =	ssettag $0x0;
	lr =	simm.s32 $0x1  }
0x2: {  	[smem:$0x3F97] =	sst lr;
	_ =	strace $0xD0000000  }
0x3: {  	_ = 	snop  }
0x4: {  	_ = 	snop  }
0x5: {  	_ = 	snop  }
0x6: {  	_ = 	snop  }
0x7: {  	_ = 	snop  }
__scs_overlays_trampoline_lowered:
0x8: {  	[smem:$0x3FA6] =	sst s0  }
0x9: {  	[smem:$0x3FA7] =	sst s1  }
0xa: {  	[smem:$0x3FA8] =	sst s2  }
0xb: {  	[smem:$0x3FA9] =	sst s3  }
0xc: {  	[smem:$0x3FAA] =	sst s4  }
0xd: {  	[smem:$0x3FAB] =	sst s5  }
0xe: {  	[smem:$0x3FAC] =	sst s6  }
0xf: {  	[smem:$0x3FAD] =	sst s7  }
0x10: {  	[smem:$0x3FAE] =	sst s8  }
0x11: {  	[smem:$0x3FAF] =	sst s9;
	s0 =	simm.s32 @!p0 $0x0  }
0x12: {  	s1 =	sld [smem:$0x3F95];
	s0 =	simm.s32 @p0 $0x1  }
0x13: {  	[smem:$0x3FB0] =	sst s0;
	s0 =	simm.s32 @!p1 $0x0  }
0x14: {  	s2 =	sld [smem:$0x3F94];
	s0 =	simm.s32 @p1 $0x1  }
0x15: {  	[smem:$0x3FB1] =	sst s0;
	s0 =	simm.s32 @!p2 $0x0  }
0x16: {  	s3 =	sld [smem:$0x3FDB];
	s0 =	simm.s32 @p2 $0x1  }
0x17: {  	s4 =	simm.s32 $0x1BF5;
	[smem:$0x3FB3] =	sst s0  }
0x18: {  	s0 =	sld [smem:$0x3F96];
	_ =	swait.ge [sflag:s4], $0x0  }
0x19: {  	s7 =	sld [smem:$0x3F97]  }
0x1a: {  	s8 =	sadd.s32 $0xFFFFE003, lr  }
0x1b: {  	s9 =	sadd.s32 $0xFFFFFEF7, lr;
	s5 =	simm.s32 $0xFFFFFFFF;
	p2 =	slt.u32 s8, $0xFFFFF086  }
0x1c: {  	p1 =	slt.u32 s9, $0xF7A;
	s5 =	simm.s32 @!p2 $0x0  }
0x1d: {  	s5 =	simm.s32 @p1 $0x1;
	p0 =	seq.s32 s7, s2  }
0x1e: {  	s7 =	smul.u32 @!p0 $0xF7A, s2;
	p2 =	seq.s32 @!p0 s5, $0x0  }
0x1f: {  	s9 =	smul.u32 $0xF7A, s1;
	s8 =	simm.s32 @!p0 $0x1BF5;
	p2 =	por !p2, p0  }
0x20: {  	[sflag:s8] =	ssyncset.s32 @!p0 $0xFFFFF086;
	s6 =	sadd.s32 @!p0 s3, s7;
	s7 =	simm.s32 @!p0 $0x108  }
0x21: {  	s3 =	sadd.s32 s3, s9;
	s6 =	sadd.s32 @!p0 $0x88, s6;
	s7 =	simm.s32 @p2 $0x1082  }
0x22: {  	[simem:s7], [sflag:s8] =	dma.local @!p0 [hbm:s6], $0xF7A  }
0x23: {  	s9 =	sor.u32 $0xD0000000, s2;
	s6 =	simm.s32 $0x108;
	_ =	swait.ge @!p0 [sflag:s8], $0x0  }
0x24: {  	s3 =	sadd.s32 $0x88, s3;
	s6 =	simm.s32 @!p1 $0x1082;
	[sflag:s4] =	ssyncset.s32 $0xFFFFF086  }
0x25: {  	[simem:s6], [sflag:s4] =	dma.local [hbm:s3], $0xF7A  }
0x26: {  	[smem:$0x3F97] =	sst s1;
	(tag) =	ssettag s2;
	_ =	strace s9  }
0x27: {  	s1 =	sld [smem:$0x3FA7]  }
0x28: {  	s2 =	sld [smem:$0x3FA8]  }
0x29: {  	s4 =	sld [smem:$0x3FAA]  }
0x2a: {  	p0 =	seq.s32 s5, $0x0;
	s5 =	sld [smem:$0x3FAB]  }
0x2b: {  	s6 =	sld [smem:$0x3FAC]  }
0x2c: {  	s7 =	sld [smem:$0x3FAD]  }
0x2d: {  	s3 =	simm.s32 $0x108;
	s8 =	sld [smem:$0x3FAE]  }
0x2e: {  	s3 =	simm.s32 @!p0 $0x1082;
	s9 =	sld [smem:$0x3FAF]  }
0x2f: {  	lr =	sadd.s32 s0, s3;
	s0 =	sld [smem:$0x3FA6]  }
0x30: {  	s3 =	sld [smem:$0x3FA9]  }
0x31: {  	[smem:$0x3FB2] =	sst s10  }
0x32: {  	s10 =	sld [smem:$0x3FB0];
	_ =	sdelay $0x3  }
0x33: {  	p0 =	seq.s32 s10, $0x1;
	s10 =	sld [smem:$0x3FB2];
	_ =	sdelay $0x3  }
0x34: {  	[smem:$0x3FB2] =	sst s10  }
0x35: {  	s10 =	sld [smem:$0x3FB1];
	_ =	sdelay $0x3  }
0x36: {  	p1 =	seq.s32 s10, $0x1;
	s10 =	sld [smem:$0x3FB2];
	_ =	sdelay $0x3  }
0x37: {  	[smem:$0x3FB2] =	sst s10  }
0x38: {  	s10 =	sld [smem:$0x3FB3]  }
0x39: {  	_ = 	snop;
	(pc) =	sbr.ind lr, $3  }
0x3a: {  	_ = 	snop  }
0x3b: {  	_ = 	snop  }
0x3c: {  	p2 =	seq.s32 s10, $0x1;
	s10 =	sld [smem:$0x3FB2]  }
0x3d: {  	_ =	shalt  }
0x3e: {  	_ =	shalt  }
0x3f: {  	_ =	shalt  }
0x40: {  	_ =	shalt  }
0x41: {  	_ =	shalt  }
0x42: {  	_ =	shalt  }
0x43: {  	_ =	shalt  }
0x44: {  	_ =	shalt  }
0x45: {  	_ =	shalt  }
0x46: {  	_ =	shalt  }
0x47: {  	_ =	shalt  }
0x48: {  	_ =	shalt  }
0x49: {  	_ =	shalt  }
0x4a: {  	_ =	shalt  }
0x4b: {  	_ =	shalt  }
0x4c: {  	_ =	shalt  }
0x4d: {  	_ =	shalt  }
0x4e: {  	_ =	shalt  }
0x4f: {  	_ =	shalt  }
0x50: {  	_ =	shalt  }
0x51: {  	_ =	shalt  }
0x52: {  	_ =	shalt  }
0x53: {  	_ =	shalt  }
0x54: {  	_ =	shalt  }
0x55: {  	_ =	shalt  }
0x56: {  	_ =	shalt  }
0x57: {  	_ =	shalt  }
0x58: {  	_ =	shalt  }
0x59: {  	_ =	shalt  }
0x5a: {  	_ =	shalt  }
0x5b: {  	_ =	shalt  }
0x5c: {  	_ =	shalt  }
0x5d: {  	_ =	shalt  }
0x5e: {  	_ =	shalt  }
0x5f: {  	_ =	shalt  }
0x60: {  	_ =	shalt  }
0x61: {  	_ =	shalt  }
0x62: {  	_ =	shalt  }
0x63: {  	_ =	shalt  }
0x64: {  	_ =	shalt  }
0x65: {  	_ =	shalt  }
0x66: {  	_ =	shalt  }
0x67: {  	_ =	shalt  }
0x68: {  	_ =	shalt  }
0x69: {  	_ =	shalt  }
0x6a: {  	_ =	shalt  }
0x6b: {  	_ =	shalt  }
0x6c: {  	_ =	shalt  }
0x6d: {  	_ =	shalt  }
0x6e: {  	_ =	shalt  }
0x6f: {  	_ =	shalt  }
0x70: {  	_ =	shalt  }
0x71: {  	_ =	shalt  }
0x72: {  	_ =	shalt  }
0x73: {  	_ =	shalt  }
0x74: {  	_ =	shalt  }
0x75: {  	_ =	shalt  }
0x76: {  	_ =	shalt  }
0x77: {  	_ =	shalt  }
0x78: {  	_ =	shalt  }
0x79: {  	_ =	shalt  }
0x7a: {  	_ =	shalt  }
0x7b: {  	_ =	shalt  }
0x7c: {  	_ =	shalt  }
0x7d: {  	_ =	shalt  }
0x7e: {  	_ =	shalt  }
0x7f: {  	_ =	shalt  }
0x80: {  	_ =	shalt  }
0x81: {  	_ =	shalt  }
0x82: {  	_ =	shalt  }
0x83: {  	_ =	shalt  }
0x84: {  	_ =	shalt  }
0x85: {  	_ =	shalt  }
0x86: {  	_ =	shalt  }
0x87: {  	_ =	shalt  }
.Lfunc_end0:
.L_simem_size_0:
called_computation_lowered:
.L_overlay_start_0:
0x88: {  	s2 =	sld [smem:$0x3FD9]  }
0x89: {  	s3 =	sld [smem:$0x3FFE];
	_ =	sdelay $0x1  }
0x8a: {  	s1 =	srdreg.scid  }
0x8b: {  	s0 =	sand.u32 $0x1, s1  }
0x8c: {  	s16 =	sshll.u32 s0, $0xA;
	s2 =	sadd.s32 s3, s2  }
0x8d: {  	s2 =	sadd.s32 s2, s16  }
0x8e: {  	[smem:$0x3FBE] =	sst s2  }
0x8f: {  	_ = 	snop  }
0x90: {  	(tm) =	ssettm $0x1  }
0x91: {  	s17 =	sld [smem:$0x3FFB];
	_ =	sdelay $0x3  }
0x92: {  	_ =	strace s17  }
0x93: {  	s2 =	sld [smem:$0x3FFC];
	_ =	sdelay $0x3  }
0x94: {  	_ =	strace s2  }
0x95: {  	s2 =	sld [smem:$0x3FFD];
	_ =	sdelay $0x3  }
0x96: {  	_ =	strace s2  }
0x97: {  	_ =	strace $0x8FFFFFFF  }
0x98: {  	s18 =	sld [smem:$0x3FDB];
	_ =	sdelay $0x1  }
0x99: {  	s19 =	simm.s32 $_scs_section_size  }
0x9a: {  	s4 =	simm.s32 $_size__tile_overlayer_lowered;
	s5 =	simm.s32 $_tile_overlayer_lowered  }
0x9b: {  	s22 =	simm.s32 $0x1BFF;
	s21 =	sshll.u32 s5, $0x1;
	s2 =	sadd.s32 s19, s18  }
0x9c: {  	s6 =	simm.s32 $0x0;
	s20 =	sshll.u32 s4, $0x1;
	s4 =	sadd.s32 s21, s2  }
0x9d: {  	[timem:s6], [sflag:s22] =	dma.local [hbm:s4], s20  }
0x9e: {  	_ =	swait.ge [sflag:s22], s20  }
0x9f: {  	s3 =	ssub.s32 $0x0, s20;
	[sflag:s22] =	ssyncset.done $0x0  }
0xa0: {  	[sflag:s22] =	ssyncadd.s32 s3;
	_ =	sdelay $0x1  }
0xa1: {  	s23 =	simm.s32 $0x1B8B  }
0xa2: {  	_ =	swait.ge [sflag:s23], $0x1  }
0xa3: {  	[sflag:s23] =	ssyncset.done $0x0  }
0xa4: {  	s25 =	simm.s32 $0x1B8E;
	s24 =	sld [smem:$0x3FFE];
	[sflag:s23] =	ssyncadd.s32 $0xFFFFFFFF  }
0xa5: {  	s26 =	simm.s32 $execute0_lowered;
	[smem:$0x3FD2] =	sst s25  }
0xa6: {  	s4 =	sshll.u32 s26, $0x1;
	_ =	strace $0x80000046;
	[dreg:$0x1] =	wrdreg $0xFFFFFFFF  }
0xa7: {  	s28 =	simm.s32 $_size_execute0_lowered;
	s2 =	sadd.s32 s2, s4;
	[dreg:$0x0] =	wrdreg $0x0  }
0xa8: {  	s4 =	sshll.u32 s28, $0x1;
	[dreg:$0x2] =	wrdreg s2  }
0xa9: {  	[dreg:$0x3] =	wrdreg s4  }
0xaa: {  	[dreg:$0x4] =	wrdreg $0xC0  }
0xab: {  	_ =	task [dreg:s6], $0x5FFFF  }
0xac: {  	[dreg:$0x1] =	wrdreg $0xFFFFFFFF  }
0xad: {  	[dreg:$0x0] =	wrdreg $0x60  }
0xae: {  	[dreg:$0x2] =	wrdreg s24  }
0xaf: {  	[dreg:$0x3] =	wrdreg $0x9  }
0xb0: {  	_ =	task.clear_ibuf [dreg:s6], $0x4FFFF;
	_ =	strace $0x90000046  }
0xb1: {  	s29 =	simm.s32 $0x9;
	_ =	strace $0x80000048  }
0xb2: {  	_ =	swait.ge [sflag:s29], $0x1  }
0xb3: {  	[sflag:s29] =	ssyncadd.s32 $0xFFFFFFFF  }
0xb4: {  	_ =	strace $0x90000048  }
0xb5: {  	_ =	sfence  }
0xb6: {  	s30 =	sld [smem:$0x0];
	_ =	sdelay $0x2  }
0xb7: {  	s31 =	sshll.u32 s1, $0xD;
	s1 =	sshrl.u32 s1, $0x2  }
0xb8: {  	s3 =	sand.u32 $0x4000, s31;
	s1 =	sadd.s32 s1, s30  }
0xb9: {  	s0 =	sor.u32 s3, s0;
	s1 =	sshll.u32 s1, $0x11  }
0xba: {  	s0 =	sor.u32 s1, s0  }
0xbb: {  	s0 =	sadd.s32 $0x8F2B, s0  }
0xbc: {  	[sflag:s0] =	ssyncadd.remote.s32 $0x1  }
0xbd: {  	_ =	sfence.sel $0xFFFF  }
0xbe: {  	[dreg:$0x0] =	wrdreg $0xFFFFFFFF;
	(pc) =	sbr.abs _section_cstart, $3  }
0xbf: {  	[dreg:$0x1] =	wrdreg $0xFFFFFFFF  }
0xc0: {  	_ =	task.clear_ibuf [dreg:s6], $0x2FFFF;
	_ =	strace $0x9FFFFFFF  }
0xc1: {  	(tm) =	ssettm $0x7FFFFFFF  }
tec
execute0_lowered:
.L_overlay_start_1:
0x0: {  	(tag) =	ssettag $0x1  }
0x1: {  	s1 =	srdreg.scid  }
0x2: {  	s0 =	stileid.u32;
	s7 =	sand.u32 $0x1, s1  }
0x3: {  	s29 =	sshll.u32 s0, $0x2;
	s2 =	sshll.u32 s7, $0x1  }
0x4: {  	v4 =	vlaneseq.u32;
	s5 =	sor.u32 s2, s29  }
0x5: {  	v0 =	vmax.u32 v4, s5  }
0x6: {  	v1 =	vadd.s32 $0x1, v0  }
0x7: {  	v3 =	vmov s5;
	v0 =	vmul.u32 v0, v1  }
0x8: {  	vm1 =	vne.s32 v3, v4  }
0x9: {  	s6 =	rddreg [dreg:$0x0];
	s2 =	simm.s32 $0x0;
	vm0 =	vne.s32 v3, $0x3E;
	v1 =	vmin.u32 v4, s5;
	v0 =	vshrl.u32 v0, $0x1  }
0xa: {  	s4 =	simm.s32 $0x1;
	v5 =	vor.u32 $0x10, v4;
	[smem:$0x7FF] =	sst s2;
	vm1 =	vmand vm1, vm0;
	v0 =	vadd.s32 v1, v0  }
0xb: {  	s1 =	rddreg [dreg:$0x1];
	s3 =	sadd.s32 $0x1400, s6;
	_ =	strace $0x80000047;
	v1 =	vmax.u32 v5, s5;
	v0 =	vnsel vm1, $0x7FF, v0  }
0xc: {  	[tilespmem:s2], [sflag:$0x1] =	stream.linear.gather [hbm4b:s3+s2], $0x800, $0x38;
	v2 =	vadd.s32 $0x1, v1;
	[tilespmem:$0x880] =	vst v63  }
0xd: {  	_ =	swait.ge [sflag:s4], $0x800;
	v1 =	vmul.u32 v1, v2  }
0xe: {  	[sflag:s4] =	ssyncset.done $0x0  }
0xf: {  	vm8 =	vne.s32 v3, v5;
	[sflag:s4] =	ssyncadd.s32 $0xFFFFF800;
	v2 =	vmin.u32 v5, s5;
	v1 =	vshrl.u32 v1, $0x1  }
0x10: {  	v6 =	vor.u32 $0x20, v4;
	vm1 =	vmand vm8, vm0;
	v1 =	vadd.s32 v2, v1;
	v2 =	vld.idx.msk [tilespmem:v0+s2+$0x0], $0xffff  }
0x11: {  	v7 =	vmax.u32 v6, s5;
	v1 =	vnsel vm1, $0x7FF, v1  }
0x12: {  	v8 =	vadd.s32 $0x1, v7  }
0x13: {  	v7 =	vmul.u32 v7, v8;
	_ =	sdelay $0x1  }
0x14: {  	vm9 =	vne.s32 v3, v6;
	v8 =	vmin.u32 v6, s5;
	v7 =	vshrl.u32 v7, $0x1;
	[tilespmem:$0x800] =	vst v2  }
0x15: {  	vm1 =	vmand vm9, vm0;
	v2 =	vadd.s32 v8, v7;
	v7 =	vor.u32 $0x30, v4;
	v8 =	vld.idx.msk [tilespmem:v1+s2+$0x0], $0xffff  }
0x16: {  	v2 =	vnsel vm1, $0x7FF, v2;
	v9 =	vmax.u32 v7, s5  }
0x17: {  	v10 =	vadd.s32 $0x1, v9  }
0x18: {  	v9 =	vmul.u32 v9, v10  }
0x19: {  	vm11 =	vmmov $0x3fff;
	vm10 =	vne.s32 v3, v7  }
0x1a: {  	v52 =	vmin.u32 v7, s5;
	vm1 =	vmand vm10, vm0;
	v3 =	vshrl.u32 v9, $0x1;
	[tilespmem:$0x810] =	vst v8  }
0x1b: {  	vm1 =	vmand vm1, vm11;
	v3 =	vadd.s32 v52, v3;
	v8 =	vld.idx.msk [tilespmem:v2+s2+$0x0], $0xffff  }
0x1c: {  	v3 =	vnsel vm1, $0x7FF, v3;
	_ =	sdelay $0x2  }
0x1d: {  	s8 =	sor.u32 $0x1, s5  }
0x1e: {  	v53 =	vmax.u32 v4, s8;
	[tilespmem:$0x820] =	vst v8  }
0x1f: {  	v8 =	vadd.s32 $0x1, v53;
	v54 =	vld.idx.msk [tilespmem:v3+s2+$0x0], $0xffff  }
0x20: {  	v8 =	vmul.u32 v53, v8  }
0x21: {  	v55 =	vmov s8;
	v11 =	vmin.u32 v4, s8  }
0x22: {  	vm2 =	vne.s32 v55, v4;
	vm12 =	vlt.u32 v55, $0x3E;
	v8 =	vshrl.u32 v8, $0x1  }
0x23: {  	s9 =	sadd.s32 $0x1600, s6;
	vm2 =	vmand vm2, vm12;
	s5 =	sshll.u32 s5, $0x4;
	v4 =	vadd.s32 v11, v8  }
0x24: {  	s6 =	simm.s32 $0x800;
	s5 =	sadd.s32 s9, s5;
	v8 =	vmax.u32 v5, s8;
	v4 =	vnsel vm2, $0x7FF, v4;
	[tilespmem:$0x830] =	vst v54  }
0x25: {  	v56 =	vadd.s32 $0x1, v8;
	[hbm4b:s5+s2] =	stream.linear.scatter [tilespmem:s6], [sflag:$0x1], $0x80, $0x38;
	[tilespmem:$0x880] =	vst v63  }
0x26: {  	v8 =	vmul.u32 v8, v56;
	_ =	swait.ge [sflag:s4], $0x80  }
0x27: {  	[sflag:s4] =	ssyncset.done $0x0  }
0x28: {  	v57 =	vmin.u32 v5, s8;
	vm13 =	vne.s32 v55, v5;
	v8 =	vshrl.u32 v8, $0x1;
	[sflag:s4] =	ssyncadd.s32 $0xFFFFFF80  }
0x29: {  	vm2 =	vmand vm13, vm12;
	v5 =	vadd.s32 v57, v8;
	v8 =	vld.idx.msk [tilespmem:v4+s2+$0x0], $0xffff  }
0x2a: {  	v58 =	vmax.u32 v6, s8;
	v5 =	vnsel vm2, $0x7FF, v5  }
0x2b: {  	v59 =	vadd.s32 $0x1, v58  }
0x2c: {  	v10 =	vmul.u32 v58, v59;
	_ =	sdelay $0x1  }
0x2d: {  	v60 =	vmin.u32 v6, s8;
	vm14 =	vne.s32 v55, v6;
	v10 =	vshrl.u32 v10, $0x1;
	[tilespmem:$0x800] =	vst v8  }
0x2e: {  	v6 =	vadd.s32 v60, v10;
	vm2 =	vmand vm14, vm12;
	v8 =	vld.idx.msk [tilespmem:v5+s2+$0x0], $0xffff  }
0x2f: {  	v61 =	vmax.u32 v7, s8;
	v6 =	vnsel vm2, $0x7FF, v6  }
0x30: {  	v62 =	vadd.s32 $0x1, v61  }
0x31: {  	v10 =	vmul.u32 v61, v62  }
0x32: {  	vm15 =	vne.s32 v55, v7  }
0x33: {  	v7 =	vmin.u32 v7, s8;
	vm1 =	vmand vm15, vm12;
	v63 =	vshrl.u32 v10, $0x1;
	[tilespmem:$0x810] =	vst v8  }
0x34: {  	vm0 =	vmand vm1, vm11;
	v7 =	vadd.s32 v7, v63;
	v8 =	vld.idx.msk [tilespmem:v6+s2+$0x0], $0xffff  }
0x35: {  	v7 =	vnsel vm0, $0x7FF, v7;
	_ =	sdelay $0x3  }
0x36: {  	s7 =	ssub.s32 $0x2, s7;
	[tilespmem:$0x820] =	vst v8  }
0x37: {  	s11 =	sshrl.u32 s7, $0x1;
	v8 =	vld.idx.msk [tilespmem:v7+s2+$0x0], $0xffff  }
0x38: {  	s11 =	ssub.s32 s7, s11  }
0x39: {  	s10 =	sshll.u32 s0, $0x6;
	s31 =	smax.u32 s11, $0x1  }
0x3a: {  	s10 =	sand.u32 $0x380, s10;
	p0 =	sne.s32 s31, $0x1;
	s8 =	sshll.u32 s8, $0x4  }
.Ltmp0:
0x3b: {  	s30 =	sadd.s32 s9, s10;
	s8 =	sand.u32 $0x70, s8;
	(pc) =	sbr.rel @!p0 .LBB2_2-.Ltmp0, $4  }
0x3c: {  	s7 =	sadd.s32 s8, s30;
	[tilespmem:$0x830] =	vst v8  }
0x3d: {  	[hbm4b:s7+s2] =	stream.linear.scatter [tilespmem:s6], [sflag:$0x1], $0x80, $0x38;
	[tilespmem:$0x880] =	vst v63  }
0x3e: {  	_ =	swait.ge [sflag:s4], $0x80  }
0x3f: {  	s8 =	sadd.s32 $0xFFFFFFFF, s31;
	[sflag:s4] =	ssyncset.done $0x0  }
.LBB2_1:
0x40: {  	p0 =	sne.s32 s8, $0x1;
	s8 =	sadd.s32 $0xFFFFFFFF, s8;
	[sflag:s4] =	ssyncadd.s32 $0xFFFFFF80  }
0x41: {  	[tilespmem:s2], [sflag:$0x1] =	stream.linear.gather [hbm4b:s3+s2], $0x800, $0x38;
	[tilespmem:$0x880] =	vst v63  }
0x42: {  	_ =	swait.ge [sflag:s4], $0x800  }
0x43: {  	[sflag:s4] =	ssyncset.done $0x0  }
0x44: {  	[sflag:s4] =	ssyncadd.s32 $0xFFFFF800  }
0x45: {  	v8 =	vld.idx.msk [tilespmem:v0+s2+$0x0], $0xffff;
	_ =	sdelay $0x5  }
0x46: {  	[tilespmem:$0x800] =	vst v8  }
0x47: {  	v8 =	vld.idx.msk [tilespmem:v1+s2+$0x0], $0xffff;
	_ =	sdelay $0x5  }
0x48: {  	[tilespmem:$0x810] =	vst v8  }
0x49: {  	v8 =	vld.idx.msk [tilespmem:v2+s2+$0x0], $0xffff;
	_ =	sdelay $0x5  }
0x4a: {  	[tilespmem:$0x820] =	vst v8  }
0x4b: {  	v8 =	vld.idx.msk [tilespmem:v3+s2+$0x0], $0xffff;
	_ =	sdelay $0x5  }
0x4c: {  	[tilespmem:$0x830] =	vst v8  }
0x4d: {  	[hbm4b:s5+s2] =	stream.linear.scatter [tilespmem:s6], [sflag:$0x1], $0x80, $0x38;
	[tilespmem:$0x880] =	vst v63  }
0x4e: {  	_ =	swait.ge [sflag:s4], $0x80  }
0x4f: {  	[sflag:s4] =	ssyncset.done $0x0  }
0x50: {  	[sflag:s4] =	ssyncadd.s32 $0xFFFFFF80  }
0x51: {  	v8 =	vld.idx.msk [tilespmem:v4+s2+$0x0], $0xffff;
	_ =	sdelay $0x5  }
0x52: {  	[tilespmem:$0x800] =	vst v8  }
0x53: {  	v8 =	vld.idx.msk [tilespmem:v5+s2+$0x0], $0xffff;
	_ =	sdelay $0x5  }
0x54: {  	[tilespmem:$0x810] =	vst v8  }
0x55: {  	v8 =	vld.idx.msk [tilespmem:v6+s2+$0x0], $0xffff;
	_ =	sdelay $0x5  }
0x56: {  	[tilespmem:$0x820] =	vst v8  }
0x57: {  	v8 =	vld.idx.msk [tilespmem:v7+s2+$0x0], $0xffff;
	_ =	sdelay $0x4  }
.Ltmp1:
0x58: {  	(pc) =	sbr.rel @p0 .LBB2_1-.Ltmp1, $4  }
0x59: {  	[tilespmem:$0x830] =	vst v8  }
0x5a: {  	[hbm4b:s7+s2] =	stream.linear.scatter [tilespmem:s6], [sflag:$0x1], $0x80, $0x38;
	[tilespmem:$0x880] =	vst v63  }
0x5b: {  	_ =	swait.ge [sflag:s4], $0x80  }
0x5c: {  	[sflag:s4] =	ssyncset.done $0x0  }
.LBB2_2:
0x5d: {  	[sflag:s4] =	ssyncadd.s32 $0xFFFFFF80  }
0x5e: {  	_ =	sfence.sel $0x180000  }
0x5f: {  	[bflag:$0x0] =	sbarrier.arrive $0xFFFF  }
0x60: {  	p0 =	sne.s32 s0, $0x0;
	_ =	strace $0x90000047  }
0x61: {  	s0 =	sadd.s32 @!p0 $0x100000, s1;
	[bflag:$0x2] =	sbarrier.arrive $0xFFFF  }
0x62: {  	[sflag:s0] =	ssyncadd.tile.s32 @!p0 $0x1;
	_ =	shalt  }
.Lfunc_end2:
_tile_overlayer_lowered:
.L_overlay_start_2:
0x63: {  	(tag) =	ssettag $0x2  }
0x64: {  	s0 =	rddreg [dreg:$0x0];
	s2 =	stileid.u32  }
0x65: {  	s1 =	rddreg [dreg:$0x1];
	p0 =	sne.s32 s2, $0x0  }
0x66: {  	s3 =	rddreg [dreg:$0x2];
	[bflag:$0x3] =	sbarrier.arrive $0xFFFF;
	s2 =	simm.s32 @!p0 $0x1C01  }
0x67: {  	[timem:s3], [sflag:s2] =	dma.local @!p0 [hbm:s0], s1  }
0x68: {  	s0 =	simm.s32 @!p0 $0x1  }
0x69: {  	_ =	swait.ge @!p0 [sflag:s0], s1  }
0x6a: {  	s1 =	ssub.s32 @!p0 $0x0, s1;
	[sflag:s0] =	ssyncset.done @!p0 $0x0  }
0x6b: {  	[sflag:s0] =	ssyncadd.s32 @!p0 s1  }
0x6c: {  	[bflag:$0x3] =	sbarrier.arrive $0xFFFF  }
0x6d: {  	_ =	shalt  }

</sc_bundles>
